<compile_context>
chip_gen: v7x
topology: tpu7x:2x2x1
jax: 0.10.2.dev20260603
libtpu: 0.0.44.dev20260713+nightly
codegen_flags: <defaults>
</compile_context>

<pallas_src>
import functools

import jax
import jax.numpy as jnp
from jax import lax
from jax.experimental import pallas as pl
from jax.experimental.pallas import tpu as pltpu
from jax.experimental.pallas import tpu_sc as plsc

SEQ_LEN = 8192
DIM = 1024
NUM_CORES = 2
NUM_SUBCORES = 16
NUM_WORKERS = NUM_CORES * NUM_SUBCORES
ROWS_PER_WORKER = SEQ_LEN // NUM_WORKERS

_SIZES = [56, 64, 56, 64, 16]
_OFFS = [sum(_SIZES[:i]) for i in range(len(_SIZES))]
NCH = len(_SIZES)

_mesh = plsc.VectorSubcoreMesh(core_axis_name="c", subcore_axis_name="s")


@functools.partial(
    pl.kernel,
    mesh=_mesh,
    out_type=jax.ShapeDtypeStruct((SEQ_LEN, DIM), jnp.float32),
    scratch_types=[
        pltpu.VMEM((56, DIM), jnp.float32),
        pltpu.VMEM((64, DIM), jnp.float32),
        pltpu.SemaphoreType.DMA,
        pltpu.SemaphoreType.DMA,
        pltpu.SemaphoreType.DMA,
        pltpu.SemaphoreType.DMA,
    ],
)
def _pos_embed_lookup(table_hbm, out_hbm, buf0, buf1, gs0, gs1, ss0, ss1):
    wid = lax.axis_index("s") * NUM_CORES + lax.axis_index("c")
    base = wid * ROWS_PER_WORKER
    bufs = (buf0, buf1)
    gsems = (gs0, gs1)
    ssems = (ss0, ss1)

    def fire_g(i):
        b = i & 1
        return pltpu.async_copy(
            table_hbm.at[pl.ds(base + _OFFS[i], _SIZES[i])],
            bufs[b].at[pl.ds(0, _SIZES[i])],
            gsems[b],
        )

    def fire_s(i):
        b = i & 1
        return pltpu.async_copy(
            bufs[b].at[pl.ds(0, _SIZES[i])],
            out_hbm.at[pl.ds(base + _OFFS[i], _SIZES[i])],
            ssems[b],
        )

    g = [None] * NCH
    s = [None] * NCH
    g[0] = fire_g(0)
    g[1] = fire_g(1)
    g[0].wait()
    s[0] = fire_s(0)
    g[1].wait()
    s[1] = fire_s(1)
    for i in range(2, NCH):
        s[i - 2].wait()
        g[i] = fire_g(i)
        g[i].wait()
        s[i] = fire_s(i)
    s[NCH - 2].wait()
    s[NCH - 1].wait()


def kernel(x, emb_weight):
    del x
    return _pos_embed_lookup(emb_weight)

# --- scband reference (transcript-rebuilt; emitter-appended) ---
"""Pipeline reference for scband-absolute-positional-embedding-49306224558248 (READ-ONLY COPY).

The authoritative reference and input builder live on the scoring server;
editing this copy changes nothing except your own understanding.
"""

import jax, jax.numpy as jnp
import numpy as np

DIM = 1024
MAX_SEQ_LEN = 8192


def setup_inputs(seed: int = 0) -> dict:
    key = jax.random.key(seed)
    k_x, k_emb = jax.random.split(key)
    x = jax.random.normal(k_x, (4, 8192, DIM), dtype=jnp.float32)
    # nn.Embedding default init: N(0, 1)
    emb_weight = jax.random.normal(k_emb, (MAX_SEQ_LEN, DIM), dtype=jnp.float32)
    return {"x": x, "emb_weight": emb_weight}


def reference(x, emb_weight):
    seq_len = x.shape[1]
    t = jnp.arange(seq_len, dtype=jnp.int32)
    # embedding lookup == row gather from the table
    return jnp.take(emb_weight, t, axis=0)

if __name__ == "__main__":
    import jax
    _d = setup_inputs()
    print(jax.jit(kernel)(*tuple(_d.values())))

</pallas_src>

<mosaic_0001>
#map = affine_map<(d0, d1) -> (0, 0)>
module attributes {stable_mosaic.version = 14 : i64} {
  func.func @_pos_embed_lookup(%arg0: i32, %arg1: i32, %arg2: memref<8192x1024xf32, #tpu.memory_space<hbm>>, %arg3: memref<8192x1024xf32, #tpu.memory_space<hbm>>, %arg4: memref<56x1024xf32, #tpu.memory_space<vmem>>, %arg5: memref<64x1024xf32, #tpu.memory_space<vmem>>, %arg6: memref<!tpu.dma_semaphore, #tpu.memory_space<semaphore_mem>>, %arg7: memref<!tpu.dma_semaphore, #tpu.memory_space<semaphore_mem>>, %arg8: memref<!tpu.dma_semaphore, #tpu.memory_space<semaphore_mem>>, %arg9: memref<!tpu.dma_semaphore, #tpu.memory_space<semaphore_mem>>) attributes {dimension_semantics = [#tpu.dimension_semantics<core_parallel>, #tpu.dimension_semantics<subcore_parallel>], iteration_bounds = array<i64: 2, 16>, scalar_prefetch = 0 : i64, scratch_operands = 6 : i64, tpu.core_type = #tpu.core_type<sc_vector_subcore>, window_params = [{transform_indices = #map}, {transform_indices = #map}]} {
    %mul3A = arith.constant 2 : i32
    %mul3A_0 = arith.muli %arg1, %mul3A : i32
    %add3A = arith.addi %mul3A_0, %arg0 : i32
    %mul3A_1 = arith.constant 256 : i32
    %mul3A_2 = arith.muli %add3A, %mul3A_1 : i32
    %add3A_3 = arith.constant 0 : i32
    %add3A_4 = arith.addi %mul3A_2, %add3A_3 : i32
    %dma_start3A = arith.constant 0 : i32
    %dma_start3A_5 = arith.constant 0 : i32
    %dma_start3A_6 = tpu.memref_slice %arg4[%dma_start3A, %dma_start3A_5] : memref<56x1024xf32, #tpu.memory_space<vmem>> -> memref<56x1024xf32, #tpu.memory_space<vmem>>
    %dma_start3A_7 = arith.constant 0 : i32
    %dma_start3A_8 = tpu.memref_slice %arg2[%add3A_4, %dma_start3A_7] : memref<8192x1024xf32, #tpu.memory_space<hbm>> -> memref<56x1024xf32, #tpu.memory_space<hbm>>
    %dma_start3A_9 = arith.constant 0 : i32
    %dma_start3A_10 = arith.constant 0 : i32
    %dma_start3A_11 = tpu.memref_slice %arg4[%dma_start3A_9, %dma_start3A_10] : memref<56x1024xf32, #tpu.memory_space<vmem>> -> memref<56x1024xf32, #tpu.memory_space<vmem>>
    %dma_start3A_12 = arith.constant 0 : i32
    %dma_start3A_13 = tpu.memref_slice %arg2[%add3A_4, %dma_start3A_12] : memref<8192x1024xf32, #tpu.memory_space<hbm>> -> memref<56x1024xf32, #tpu.memory_space<hbm>>
    tpu.enqueue_dma source(%dma_start3A_13 : memref<56x1024xf32, #tpu.memory_space<hbm>>) target(%dma_start3A_11 : memref<56x1024xf32, #tpu.memory_space<vmem>>) target_semaphore(%arg6 : memref<!tpu.dma_semaphore, #tpu.memory_space<semaphore_mem>>)
    %add3A_14 = arith.constant 56 : i32
    %add3A_15 = arith.addi %mul3A_2, %add3A_14 : i32
    %dma_start3A_16 = arith.constant 0 : i32
    %dma_start3A_17 = arith.constant 0 : i32
    %dma_start3A_18 = tpu.memref_slice %arg5[%dma_start3A_16, %dma_start3A_17] : memref<64x1024xf32, #tpu.memory_space<vmem>> -> memref<64x1024xf32, #tpu.memory_space<vmem>>
    %dma_start3A_19 = arith.constant 0 : i32
    %dma_start3A_20 = tpu.memref_slice %arg2[%add3A_15, %dma_start3A_19] : memref<8192x1024xf32, #tpu.memory_space<hbm>> -> memref<64x1024xf32, #tpu.memory_space<hbm>>
    %dma_start3A_21 = arith.constant 0 : i32
    %dma_start3A_22 = arith.constant 0 : i32
    %dma_start3A_23 = tpu.memref_slice %arg5[%dma_start3A_21, %dma_start3A_22] : memref<64x1024xf32, #tpu.memory_space<vmem>> -> memref<64x1024xf32, #tpu.memory_space<vmem>>
    %dma_start3A_24 = arith.constant 0 : i32
    %dma_start3A_25 = tpu.memref_slice %arg2[%add3A_15, %dma_start3A_24] : memref<8192x1024xf32, #tpu.memory_space<hbm>> -> memref<64x1024xf32, #tpu.memory_space<hbm>>
    tpu.enqueue_dma source(%dma_start3A_25 : memref<64x1024xf32, #tpu.memory_space<hbm>>) target(%dma_start3A_23 : memref<64x1024xf32, #tpu.memory_space<vmem>>) target_semaphore(%arg7 : memref<!tpu.dma_semaphore, #tpu.memory_space<semaphore_mem>>)
    %dma_wait3A = arith.constant 0 : i32
    %dma_wait3A_26 = arith.constant 0 : i32
    %dma_wait3A_27 = tpu.memref_slice %arg4[%dma_wait3A, %dma_wait3A_26] : memref<56x1024xf32, #tpu.memory_space<vmem>> -> memref<56x1024xf32, #tpu.memory_space<vmem>>
    %dma_wait3A_28 = arith.constant 0 : i32
    %dma_wait3A_29 = tpu.memref_slice %arg2[%add3A_4, %dma_wait3A_28] : memref<8192x1024xf32, #tpu.memory_space<hbm>> -> memref<56x1024xf32, #tpu.memory_space<hbm>>
    %dma_wait3A_30 = arith.constant 0 : i32
    %dma_wait3A_31 = arith.constant 0 : i32
    %dma_wait3A_32 = tpu.memref_slice %arg4[%dma_wait3A_30, %dma_wait3A_31] : memref<56x1024xf32, #tpu.memory_space<vmem>> -> memref<56x1024xf32, #tpu.memory_space<vmem>>
    %dma_wait3A_33 = arith.constant 0 : i32
    %dma_wait3A_34 = tpu.memref_slice %arg2[%add3A_4, %dma_wait3A_33] : memref<8192x1024xf32, #tpu.memory_space<hbm>> -> memref<56x1024xf32, #tpu.memory_space<hbm>>
    tpu.wait_dma2 semaphore(%arg6 : memref<!tpu.dma_semaphore, #tpu.memory_space<semaphore_mem>>) src(%dma_wait3A_34 : memref<56x1024xf32, #tpu.memory_space<hbm>>) dst(%dma_wait3A_32 : memref<56x1024xf32, #tpu.memory_space<vmem>>)
    %add3A_35 = arith.constant 0 : i32
    %add3A_36 = arith.addi %mul3A_2, %add3A_35 : i32
    %dma_start3A_37 = arith.constant 0 : i32
    %dma_start3A_38 = arith.constant 0 : i32
    %dma_start3A_39 = tpu.memref_slice %arg4[%dma_start3A_37, %dma_start3A_38] : memref<56x1024xf32, #tpu.memory_space<vmem>> -> memref<56x1024xf32, #tpu.memory_space<vmem>>
    %dma_start3A_40 = arith.constant 0 : i32
    %dma_start3A_41 = tpu.memref_slice %arg3[%add3A_36, %dma_start3A_40] : memref<8192x1024xf32, #tpu.memory_space<hbm>> -> memref<56x1024xf32, #tpu.memory_space<hbm>>
    %dma_start3A_42 = arith.constant 0 : i32
    %dma_start3A_43 = tpu.memref_slice %arg3[%add3A_36, %dma_start3A_42] : memref<8192x1024xf32, #tpu.memory_space<hbm>> -> memref<56x1024xf32, #tpu.memory_space<hbm>>
    %dma_start3A_44 = arith.constant 0 : i32
    %dma_start3A_45 = arith.constant 0 : i32
    %dma_start3A_46 = tpu.memref_slice %arg4[%dma_start3A_44, %dma_start3A_45] : memref<56x1024xf32, #tpu.memory_space<vmem>> -> memref<56x1024xf32, #tpu.memory_space<vmem>>
    tpu.enqueue_dma source(%dma_start3A_46 : memref<56x1024xf32, #tpu.memory_space<vmem>>) target(%dma_start3A_43 : memref<56x1024xf32, #tpu.memory_space<hbm>>) target_semaphore(%arg8 : memref<!tpu.dma_semaphore, #tpu.memory_space<semaphore_mem>>)
    %dma_wait3A_47 = arith.constant 0 : i32
    %dma_wait3A_48 = arith.constant 0 : i32
    %dma_wait3A_49 = tpu.memref_slice %arg5[%dma_wait3A_47, %dma_wait3A_48] : memref<64x1024xf32, #tpu.memory_space<vmem>> -> memref<64x1024xf32, #tpu.memory_space<vmem>>
    %dma_wait3A_50 = arith.constant 0 : i32
    %dma_wait3A_51 = tpu.memref_slice %arg2[%add3A_15, %dma_wait3A_50] : memref<8192x1024xf32, #tpu.memory_space<hbm>> -> memref<64x1024xf32, #tpu.memory_space<hbm>>
    %dma_wait3A_52 = arith.constant 0 : i32
    %dma_wait3A_53 = arith.constant 0 : i32
    %dma_wait3A_54 = tpu.memref_slice %arg5[%dma_wait3A_52, %dma_wait3A_53] : memref<64x1024xf32, #tpu.memory_space<vmem>> -> memref<64x1024xf32, #tpu.memory_space<vmem>>
    %dma_wait3A_55 = arith.constant 0 : i32
    %dma_wait3A_56 = tpu.memref_slice %arg2[%add3A_15, %dma_wait3A_55] : memref<8192x1024xf32, #tpu.memory_space<hbm>> -> memref<64x1024xf32, #tpu.memory_space<hbm>>
    tpu.wait_dma2 semaphore(%arg7 : memref<!tpu.dma_semaphore, #tpu.memory_space<semaphore_mem>>) src(%dma_wait3A_56 : memref<64x1024xf32, #tpu.memory_space<hbm>>) dst(%dma_wait3A_54 : memref<64x1024xf32, #tpu.memory_space<vmem>>)
    %add3A_57 = arith.constant 56 : i32
    %add3A_58 = arith.addi %mul3A_2, %add3A_57 : i32
    %dma_start3A_59 = arith.constant 0 : i32
    %dma_start3A_60 = arith.constant 0 : i32
    %dma_start3A_61 = tpu.memref_slice %arg5[%dma_start3A_59, %dma_start3A_60] : memref<64x1024xf32, #tpu.memory_space<vmem>> -> memref<64x1024xf32, #tpu.memory_space<vmem>>
    %dma_start3A_62 = arith.constant 0 : i32
    %dma_start3A_63 = tpu.memref_slice %arg3[%add3A_58, %dma_start3A_62] : memref<8192x1024xf32, #tpu.memory_space<hbm>> -> memref<64x1024xf32, #tpu.memory_space<hbm>>
    %dma_start3A_64 = arith.constant 0 : i32
    %dma_start3A_65 = tpu.memref_slice %arg3[%add3A_58, %dma_start3A_64] : memref<8192x1024xf32, #tpu.memory_space<hbm>> -> memref<64x1024xf32, #tpu.memory_space<hbm>>
    %dma_start3A_66 = arith.constant 0 : i32
    %dma_start3A_67 = arith.constant 0 : i32
    %dma_start3A_68 = tpu.memref_slice %arg5[%dma_start3A_66, %dma_start3A_67] : memref<64x1024xf32, #tpu.memory_space<vmem>> -> memref<64x1024xf32, #tpu.memory_space<vmem>>
    tpu.enqueue_dma source(%dma_start3A_68 : memref<64x1024xf32, #tpu.memory_space<vmem>>) target(%dma_start3A_65 : memref<64x1024xf32, #tpu.memory_space<hbm>>) target_semaphore(%arg9 : memref<!tpu.dma_semaphore, #tpu.memory_space<semaphore_mem>>)
    %dma_wait3A_69 = arith.constant 0 : i32
    %dma_wait3A_70 = arith.constant 0 : i32
    %dma_wait3A_71 = tpu.memref_slice %arg4[%dma_wait3A_69, %dma_wait3A_70] : memref<56x1024xf32, #tpu.memory_space<vmem>> -> memref<56x1024xf32, #tpu.memory_space<vmem>>
    %dma_wait3A_72 = arith.constant 0 : i32
    %dma_wait3A_73 = tpu.memref_slice %arg3[%add3A_36, %dma_wait3A_72] : memref<8192x1024xf32, #tpu.memory_space<hbm>> -> memref<56x1024xf32, #tpu.memory_space<hbm>>
    %dma_wait3A_74 = arith.constant 0 : i32
    %dma_wait3A_75 = tpu.memref_slice %arg3[%add3A_36, %dma_wait3A_74] : memref<8192x1024xf32, #tpu.memory_space<hbm>> -> memref<56x1024xf32, #tpu.memory_space<hbm>>
    %dma_wait3A_76 = arith.constant 0 : i32
    %dma_wait3A_77 = arith.constant 0 : i32
    %dma_wait3A_78 = tpu.memref_slice %arg4[%dma_wait3A_76, %dma_wait3A_77] : memref<56x1024xf32, #tpu.memory_space<vmem>> -> memref<56x1024xf32, #tpu.memory_space<vmem>>
    tpu.wait_dma2 semaphore(%arg8 : memref<!tpu.dma_semaphore, #tpu.memory_space<semaphore_mem>>) src(%dma_wait3A_78 : memref<56x1024xf32, #tpu.memory_space<vmem>>) dst(%dma_wait3A_75 : memref<56x1024xf32, #tpu.memory_space<hbm>>)
    %add3A_79 = arith.constant 120 : i32
    %add3A_80 = arith.addi %mul3A_2, %add3A_79 : i32
    %dma_start3A_81 = arith.constant 0 : i32
    %dma_start3A_82 = arith.constant 0 : i32
    %dma_start3A_83 = tpu.memref_slice %arg4[%dma_start3A_81, %dma_start3A_82] : memref<56x1024xf32, #tpu.memory_space<vmem>> -> memref<56x1024xf32, #tpu.memory_space<vmem>>
    %dma_start3A_84 = arith.constant 0 : i32
    %dma_start3A_85 = tpu.memref_slice %arg2[%add3A_80, %dma_start3A_84] : memref<8192x1024xf32, #tpu.memory_space<hbm>> -> memref<56x1024xf32, #tpu.memory_space<hbm>>
    %dma_start3A_86 = arith.constant 0 : i32
    %dma_start3A_87 = arith.constant 0 : i32
    %dma_start3A_88 = tpu.memref_slice %arg4[%dma_start3A_86, %dma_start3A_87] : memref<56x1024xf32, #tpu.memory_space<vmem>> -> memref<56x1024xf32, #tpu.memory_space<vmem>>
    %dma_start3A_89 = arith.constant 0 : i32
    %dma_start3A_90 = tpu.memref_slice %arg2[%add3A_80, %dma_start3A_89] : memref<8192x1024xf32, #tpu.memory_space<hbm>> -> memref<56x1024xf32, #tpu.memory_space<hbm>>
    tpu.enqueue_dma source(%dma_start3A_90 : memref<56x1024xf32, #tpu.memory_space<hbm>>) target(%dma_start3A_88 : memref<56x1024xf32, #tpu.memory_space<vmem>>) target_semaphore(%arg6 : memref<!tpu.dma_semaphore, #tpu.memory_space<semaphore_mem>>)
    %dma_wait3A_91 = arith.constant 0 : i32
    %dma_wait3A_92 = arith.constant 0 : i32
    %dma_wait3A_93 = tpu.memref_slice %arg4[%dma_wait3A_91, %dma_wait3A_92] : memref<56x1024xf32, #tpu.memory_space<vmem>> -> memref<56x1024xf32, #tpu.memory_space<vmem>>
    %dma_wait3A_94 = arith.constant 0 : i32
    %dma_wait3A_95 = tpu.memref_slice %arg2[%add3A_80, %dma_wait3A_94] : memref<8192x1024xf32, #tpu.memory_space<hbm>> -> memref<56x1024xf32, #tpu.memory_space<hbm>>
    %dma_wait3A_96 = arith.constant 0 : i32
    %dma_wait3A_97 = arith.constant 0 : i32
    %dma_wait3A_98 = tpu.memref_slice %arg4[%dma_wait3A_96, %dma_wait3A_97] : memref<56x1024xf32, #tpu.memory_space<vmem>> -> memref<56x1024xf32, #tpu.memory_space<vmem>>
    %dma_wait3A_99 = arith.constant 0 : i32
    %dma_wait3A_100 = tpu.memref_slice %arg2[%add3A_80, %dma_wait3A_99] : memref<8192x1024xf32, #tpu.memory_space<hbm>> -> memref<56x1024xf32, #tpu.memory_space<hbm>>
    tpu.wait_dma2 semaphore(%arg6 : memref<!tpu.dma_semaphore, #tpu.memory_space<semaphore_mem>>) src(%dma_wait3A_100 : memref<56x1024xf32, #tpu.memory_space<hbm>>) dst(%dma_wait3A_98 : memref<56x1024xf32, #tpu.memory_space<vmem>>)
    %add3A_101 = arith.constant 120 : i32
    %add3A_102 = arith.addi %mul3A_2, %add3A_101 : i32
    %dma_start3A_103 = arith.constant 0 : i32
    %dma_start3A_104 = arith.constant 0 : i32
    %dma_start3A_105 = tpu.memref_slice %arg4[%dma_start3A_103, %dma_start3A_104] : memref<56x1024xf32, #tpu.memory_space<vmem>> -> memref<56x1024xf32, #tpu.memory_space<vmem>>
    %dma_start3A_106 = arith.constant 0 : i32
    %dma_start3A_107 = tpu.memref_slice %arg3[%add3A_102, %dma_start3A_106] : memref<8192x1024xf32, #tpu.memory_space<hbm>> -> memref<56x1024xf32, #tpu.memory_space<hbm>>
    %dma_start3A_108 = arith.constant 0 : i32
    %dma_start3A_109 = tpu.memref_slice %arg3[%add3A_102, %dma_start3A_108] : memref<8192x1024xf32, #tpu.memory_space<hbm>> -> memref<56x1024xf32, #tpu.memory_space<hbm>>
    %dma_start3A_110 = arith.constant 0 : i32
    %dma_start3A_111 = arith.constant 0 : i32
    %dma_start3A_112 = tpu.memref_slice %arg4[%dma_start3A_110, %dma_start3A_111] : memref<56x1024xf32, #tpu.memory_space<vmem>> -> memref<56x1024xf32, #tpu.memory_space<vmem>>
    tpu.enqueue_dma source(%dma_start3A_112 : memref<56x1024xf32, #tpu.memory_space<vmem>>) target(%dma_start3A_109 : memref<56x1024xf32, #tpu.memory_space<hbm>>) target_semaphore(%arg8 : memref<!tpu.dma_semaphore, #tpu.memory_space<semaphore_mem>>)
    %dma_wait3A_113 = arith.constant 0 : i32
    %dma_wait3A_114 = arith.constant 0 : i32
    %dma_wait3A_115 = tpu.memref_slice %arg5[%dma_wait3A_113, %dma_wait3A_114] : memref<64x1024xf32, #tpu.memory_space<vmem>> -> memref<64x1024xf32, #tpu.memory_space<vmem>>
    %dma_wait3A_116 = arith.constant 0 : i32
    %dma_wait3A_117 = tpu.memref_slice %arg3[%add3A_58, %dma_wait3A_116] : memref<8192x1024xf32, #tpu.memory_space<hbm>> -> memref<64x1024xf32, #tpu.memory_space<hbm>>
    %dma_wait3A_118 = arith.constant 0 : i32
    %dma_wait3A_119 = tpu.memref_slice %arg3[%add3A_58, %dma_wait3A_118] : memref<8192x1024xf32, #tpu.memory_space<hbm>> -> memref<64x1024xf32, #tpu.memory_space<hbm>>
    %dma_wait3A_120 = arith.constant 0 : i32
    %dma_wait3A_121 = arith.constant 0 : i32
    %dma_wait3A_122 = tpu.memref_slice %arg5[%dma_wait3A_120, %dma_wait3A_121] : memref<64x1024xf32, #tpu.memory_space<vmem>> -> memref<64x1024xf32, #tpu.memory_space<vmem>>
    tpu.wait_dma2 semaphore(%arg9 : memref<!tpu.dma_semaphore, #tpu.memory_space<semaphore_mem>>) src(%dma_wait3A_122 : memref<64x1024xf32, #tpu.memory_space<vmem>>) dst(%dma_wait3A_119 : memref<64x1024xf32, #tpu.memory_space<hbm>>)
    %add3A_123 = arith.constant 176 : i32
    %add3A_124 = arith.addi %mul3A_2, %add3A_123 : i32
    %dma_start3A_125 = arith.constant 0 : i32
    %dma_start3A_126 = arith.constant 0 : i32
    %dma_start3A_127 = tpu.memref_slice %arg5[%dma_start3A_125, %dma_start3A_126] : memref<64x1024xf32, #tpu.memory_space<vmem>> -> memref<64x1024xf32, #tpu.memory_space<vmem>>
    %dma_start3A_128 = arith.constant 0 : i32
    %dma_start3A_129 = tpu.memref_slice %arg2[%add3A_124, %dma_start3A_128] : memref<8192x1024xf32, #tpu.memory_space<hbm>> -> memref<64x1024xf32, #tpu.memory_space<hbm>>
    %dma_start3A_130 = arith.constant 0 : i32
    %dma_start3A_131 = arith.constant 0 : i32
    %dma_start3A_132 = tpu.memref_slice %arg5[%dma_start3A_130, %dma_start3A_131] : memref<64x1024xf32, #tpu.memory_space<vmem>> -> memref<64x1024xf32, #tpu.memory_space<vmem>>
    %dma_start3A_133 = arith.constant 0 : i32
    %dma_start3A_134 = tpu.memref_slice %arg2[%add3A_124, %dma_start3A_133] : memref<8192x1024xf32, #tpu.memory_space<hbm>> -> memref<64x1024xf32, #tpu.memory_space<hbm>>
    tpu.enqueue_dma source(%dma_start3A_134 : memref<64x1024xf32, #tpu.memory_space<hbm>>) target(%dma_start3A_132 : memref<64x1024xf32, #tpu.memory_space<vmem>>) target_semaphore(%arg7 : memref<!tpu.dma_semaphore, #tpu.memory_space<semaphore_mem>>)
    %dma_wait3A_135 = arith.constant 0 : i32
    %dma_wait3A_136 = arith.constant 0 : i32
    %dma_wait3A_137 = tpu.memref_slice %arg5[%dma_wait3A_135, %dma_wait3A_136] : memref<64x1024xf32, #tpu.memory_space<vmem>> -> memref<64x1024xf32, #tpu.memory_space<vmem>>
    %dma_wait3A_138 = arith.constant 0 : i32
    %dma_wait3A_139 = tpu.memref_slice %arg2[%add3A_124, %dma_wait3A_138] : memref<8192x1024xf32, #tpu.memory_space<hbm>> -> memref<64x1024xf32, #tpu.memory_space<hbm>>
    %dma_wait3A_140 = arith.constant 0 : i32
    %dma_wait3A_141 = arith.constant 0 : i32
    %dma_wait3A_142 = tpu.memref_slice %arg5[%dma_wait3A_140, %dma_wait3A_141] : memref<64x1024xf32, #tpu.memory_space<vmem>> -> memref<64x1024xf32, #tpu.memory_space<vmem>>
    %dma_wait3A_143 = arith.constant 0 : i32
    %dma_wait3A_144 = tpu.memref_slice %arg2[%add3A_124, %dma_wait3A_143] : memref<8192x1024xf32, #tpu.memory_space<hbm>> -> memref<64x1024xf32, #tpu.memory_space<hbm>>
    tpu.wait_dma2 semaphore(%arg7 : memref<!tpu.dma_semaphore, #tpu.memory_space<semaphore_mem>>) src(%dma_wait3A_144 : memref<64x1024xf32, #tpu.memory_space<hbm>>) dst(%dma_wait3A_142 : memref<64x1024xf32, #tpu.memory_space<vmem>>)
    %add3A_145 = arith.constant 176 : i32
    %add3A_146 = arith.addi %mul3A_2, %add3A_145 : i32
    %dma_start3A_147 = arith.constant 0 : i32
    %dma_start3A_148 = arith.constant 0 : i32
    %dma_start3A_149 = tpu.memref_slice %arg5[%dma_start3A_147, %dma_start3A_148] : memref<64x1024xf32, #tpu.memory_space<vmem>> -> memref<64x1024xf32, #tpu.memory_space<vmem>>
    %dma_start3A_150 = arith.constant 0 : i32
    %dma_start3A_151 = tpu.memref_slice %arg3[%add3A_146, %dma_start3A_150] : memref<8192x1024xf32, #tpu.memory_space<hbm>> -> memref<64x1024xf32, #tpu.memory_space<hbm>>
    %dma_start3A_152 = arith.constant 0 : i32
    %dma_start3A_153 = tpu.memref_slice %arg3[%add3A_146, %dma_start3A_152] : memref<8192x1024xf32, #tpu.memory_space<hbm>> -> memref<64x1024xf32, #tpu.memory_space<hbm>>
    %dma_start3A_154 = arith.constant 0 : i32
    %dma_start3A_155 = arith.constant 0 : i32
    %dma_start3A_156 = tpu.memref_slice %arg5[%dma_start3A_154, %dma_start3A_155] : memref<64x1024xf32, #tpu.memory_space<vmem>> -> memref<64x1024xf32, #tpu.memory_space<vmem>>
    tpu.enqueue_dma source(%dma_start3A_156 : memref<64x1024xf32, #tpu.memory_space<vmem>>) target(%dma_start3A_153 : memref<64x1024xf32, #tpu.memory_space<hbm>>) target_semaphore(%arg9 : memref<!tpu.dma_semaphore, #tpu.memory_space<semaphore_mem>>)
    %dma_wait3A_157 = arith.constant 0 : i32
    %dma_wait3A_158 = arith.constant 0 : i32
    %dma_wait3A_159 = tpu.memref_slice %arg4[%dma_wait3A_157, %dma_wait3A_158] : memref<56x1024xf32, #tpu.memory_space<vmem>> -> memref<56x1024xf32, #tpu.memory_space<vmem>>
    %dma_wait3A_160 = arith.constant 0 : i32
    %dma_wait3A_161 = tpu.memref_slice %arg3[%add3A_102, %dma_wait3A_160] : memref<8192x1024xf32, #tpu.memory_space<hbm>> -> memref<56x1024xf32, #tpu.memory_space<hbm>>
    %dma_wait3A_162 = arith.constant 0 : i32
    %dma_wait3A_163 = tpu.memref_slice %arg3[%add3A_102, %dma_wait3A_162] : memref<8192x1024xf32, #tpu.memory_space<hbm>> -> memref<56x1024xf32, #tpu.memory_space<hbm>>
    %dma_wait3A_164 = arith.constant 0 : i32
    %dma_wait3A_165 = arith.constant 0 : i32
    %dma_wait3A_166 = tpu.memref_slice %arg4[%dma_wait3A_164, %dma_wait3A_165] : memref<56x1024xf32, #tpu.memory_space<vmem>> -> memref<56x1024xf32, #tpu.memory_space<vmem>>
    tpu.wait_dma2 semaphore(%arg8 : memref<!tpu.dma_semaphore, #tpu.memory_space<semaphore_mem>>) src(%dma_wait3A_166 : memref<56x1024xf32, #tpu.memory_space<vmem>>) dst(%dma_wait3A_163 : memref<56x1024xf32, #tpu.memory_space<hbm>>)
    %add3A_167 = arith.constant 240 : i32
    %add3A_168 = arith.addi %mul3A_2, %add3A_167 : i32
    %dma_start3A_169 = arith.constant 0 : i32
    %dma_start3A_170 = arith.constant 0 : i32
    %dma_start3A_171 = tpu.memref_slice %arg4[%dma_start3A_169, %dma_start3A_170] : memref<56x1024xf32, #tpu.memory_space<vmem>> -> memref<16x1024xf32, #tpu.memory_space<vmem>>
    %dma_start3A_172 = arith.constant 0 : i32
    %dma_start3A_173 = tpu.memref_slice %arg2[%add3A_168, %dma_start3A_172] : memref<8192x1024xf32, #tpu.memory_space<hbm>> -> memref<16x1024xf32, #tpu.memory_space<hbm>>
    %dma_start3A_174 = arith.constant 0 : i32
    %dma_start3A_175 = arith.constant 0 : i32
    %dma_start3A_176 = tpu.memref_slice %arg4[%dma_start3A_174, %dma_start3A_175] : memref<56x1024xf32, #tpu.memory_space<vmem>> -> memref<16x1024xf32, #tpu.memory_space<vmem>>
    %dma_start3A_177 = arith.constant 0 : i32
    %dma_start3A_178 = tpu.memref_slice %arg2[%add3A_168, %dma_start3A_177] : memref<8192x1024xf32, #tpu.memory_space<hbm>> -> memref<16x1024xf32, #tpu.memory_space<hbm>>
    tpu.enqueue_dma source(%dma_start3A_178 : memref<16x1024xf32, #tpu.memory_space<hbm>>) target(%dma_start3A_176 : memref<16x1024xf32, #tpu.memory_space<vmem>>) target_semaphore(%arg6 : memref<!tpu.dma_semaphore, #tpu.memory_space<semaphore_mem>>)
    %dma_wait3A_179 = arith.constant 0 : i32
    %dma_wait3A_180 = arith.constant 0 : i32
    %dma_wait3A_181 = tpu.memref_slice %arg4[%dma_wait3A_179, %dma_wait3A_180] : memref<56x1024xf32, #tpu.memory_space<vmem>> -> memref<16x1024xf32, #tpu.memory_space<vmem>>
    %dma_wait3A_182 = arith.constant 0 : i32
    %dma_wait3A_183 = tpu.memref_slice %arg2[%add3A_168, %dma_wait3A_182] : memref<8192x1024xf32, #tpu.memory_space<hbm>> -> memref<16x1024xf32, #tpu.memory_space<hbm>>
    %dma_wait3A_184 = arith.constant 0 : i32
    %dma_wait3A_185 = arith.constant 0 : i32
    %dma_wait3A_186 = tpu.memref_slice %arg4[%dma_wait3A_184, %dma_wait3A_185] : memref<56x1024xf32, #tpu.memory_space<vmem>> -> memref<16x1024xf32, #tpu.memory_space<vmem>>
    %dma_wait3A_187 = arith.constant 0 : i32
    %dma_wait3A_188 = tpu.memref_slice %arg2[%add3A_168, %dma_wait3A_187] : memref<8192x1024xf32, #tpu.memory_space<hbm>> -> memref<16x1024xf32, #tpu.memory_space<hbm>>
    tpu.wait_dma2 semaphore(%arg6 : memref<!tpu.dma_semaphore, #tpu.memory_space<semaphore_mem>>) src(%dma_wait3A_188 : memref<16x1024xf32, #tpu.memory_space<hbm>>) dst(%dma_wait3A_186 : memref<16x1024xf32, #tpu.memory_space<vmem>>)
    %add3A_189 = arith.constant 240 : i32
    %add3A_190 = arith.addi %mul3A_2, %add3A_189 : i32
    %dma_start3A_191 = arith.constant 0 : i32
    %dma_start3A_192 = arith.constant 0 : i32
    %dma_start3A_193 = tpu.memref_slice %arg4[%dma_start3A_191, %dma_start3A_192] : memref<56x1024xf32, #tpu.memory_space<vmem>> -> memref<16x1024xf32, #tpu.memory_space<vmem>>
    %dma_start3A_194 = arith.constant 0 : i32
    %dma_start3A_195 = tpu.memref_slice %arg3[%add3A_190, %dma_start3A_194] : memref<8192x1024xf32, #tpu.memory_space<hbm>> -> memref<16x1024xf32, #tpu.memory_space<hbm>>
    %dma_start3A_196 = arith.constant 0 : i32
    %dma_start3A_197 = tpu.memref_slice %arg3[%add3A_190, %dma_start3A_196] : memref<8192x1024xf32, #tpu.memory_space<hbm>> -> memref<16x1024xf32, #tpu.memory_space<hbm>>
    %dma_start3A_198 = arith.constant 0 : i32
    %dma_start3A_199 = arith.constant 0 : i32
    %dma_start3A_200 = tpu.memref_slice %arg4[%dma_start3A_198, %dma_start3A_199] : memref<56x1024xf32, #tpu.memory_space<vmem>> -> memref<16x1024xf32, #tpu.memory_space<vmem>>
    tpu.enqueue_dma source(%dma_start3A_200 : memref<16x1024xf32, #tpu.memory_space<vmem>>) target(%dma_start3A_197 : memref<16x1024xf32, #tpu.memory_space<hbm>>) target_semaphore(%arg8 : memref<!tpu.dma_semaphore, #tpu.memory_space<semaphore_mem>>)
    %dma_wait3A_201 = arith.constant 0 : i32
    %dma_wait3A_202 = arith.constant 0 : i32
    %dma_wait3A_203 = tpu.memref_slice %arg5[%dma_wait3A_201, %dma_wait3A_202] : memref<64x1024xf32, #tpu.memory_space<vmem>> -> memref<64x1024xf32, #tpu.memory_space<vmem>>
    %dma_wait3A_204 = arith.constant 0 : i32
    %dma_wait3A_205 = tpu.memref_slice %arg3[%add3A_146, %dma_wait3A_204] : memref<8192x1024xf32, #tpu.memory_space<hbm>> -> memref<64x1024xf32, #tpu.memory_space<hbm>>
    %dma_wait3A_206 = arith.constant 0 : i32
    %dma_wait3A_207 = tpu.memref_slice %arg3[%add3A_146, %dma_wait3A_206] : memref<8192x1024xf32, #tpu.memory_space<hbm>> -> memref<64x1024xf32, #tpu.memory_space<hbm>>
    %dma_wait3A_208 = arith.constant 0 : i32
    %dma_wait3A_209 = arith.constant 0 : i32
    %dma_wait3A_210 = tpu.memref_slice %arg5[%dma_wait3A_208, %dma_wait3A_209] : memref<64x1024xf32, #tpu.memory_space<vmem>> -> memref<64x1024xf32, #tpu.memory_space<vmem>>
    tpu.wait_dma2 semaphore(%arg9 : memref<!tpu.dma_semaphore, #tpu.memory_space<semaphore_mem>>) src(%dma_wait3A_210 : memref<64x1024xf32, #tpu.memory_space<vmem>>) dst(%dma_wait3A_207 : memref<64x1024xf32, #tpu.memory_space<hbm>>)
    %dma_wait3A_211 = arith.constant 0 : i32
    %dma_wait3A_212 = arith.constant 0 : i32
    %dma_wait3A_213 = tpu.memref_slice %arg4[%dma_wait3A_211, %dma_wait3A_212] : memref<56x1024xf32, #tpu.memory_space<vmem>> -> memref<16x1024xf32, #tpu.memory_space<vmem>>
    %dma_wait3A_214 = arith.constant 0 : i32
    %dma_wait3A_215 = tpu.memref_slice %arg3[%add3A_190, %dma_wait3A_214] : memref<8192x1024xf32, #tpu.memory_space<hbm>> -> memref<16x1024xf32, #tpu.memory_space<hbm>>
    %dma_wait3A_216 = arith.constant 0 : i32
    %dma_wait3A_217 = tpu.memref_slice %arg3[%add3A_190, %dma_wait3A_216] : memref<8192x1024xf32, #tpu.memory_space<hbm>> -> memref<16x1024xf32, #tpu.memory_space<hbm>>
    %dma_wait3A_218 = arith.constant 0 : i32
    %dma_wait3A_219 = arith.constant 0 : i32
    %dma_wait3A_220 = tpu.memref_slice %arg4[%dma_wait3A_218, %dma_wait3A_219] : memref<56x1024xf32, #tpu.memory_space<vmem>> -> memref<16x1024xf32, #tpu.memory_space<vmem>>
    tpu.wait_dma2 semaphore(%arg8 : memref<!tpu.dma_semaphore, #tpu.memory_space<semaphore_mem>>) src(%dma_wait3A_220 : memref<16x1024xf32, #tpu.memory_space<vmem>>) dst(%dma_wait3A_217 : memref<16x1024xf32, #tpu.memory_space<hbm>>)
    return
  }
}

</mosaic_0001>

<sc_bundles>
// kernel: kernel.3.cloned.1.call-start
scs
__scs_entry_jumppad:
0x0: {  	(pc) =	sbr.rel $0x88, $3  }
0x1: {  	(tag) =	ssettag $0x0;
	lr =	simm.s32 $0x1  }
0x2: {  	[smem:$0x3FA0] =	sst lr;
	_ =	strace $0xD0000000  }
0x3: {  	_ = 	snop  }
0x4: {  	_ = 	snop  }
0x5: {  	_ = 	snop  }
0x6: {  	_ = 	snop  }
0x7: {  	_ = 	snop  }
__scs_overlays_trampoline_lowered:
0x8: {  	[smem:$0x3FAF] =	sst s0  }
0x9: {  	[smem:$0x3FB0] =	sst s1  }
0xa: {  	[smem:$0x3FB1] =	sst s2  }
0xb: {  	[smem:$0x3FB2] =	sst s3  }
0xc: {  	[smem:$0x3FB3] =	sst s4  }
0xd: {  	[smem:$0x3FB4] =	sst s5  }
0xe: {  	[smem:$0x3FB5] =	sst s6  }
0xf: {  	[smem:$0x3FB6] =	sst s7  }
0x10: {  	[smem:$0x3FB7] =	sst s8  }
0x11: {  	[smem:$0x3FB8] =	sst s9;
	s0 =	simm.s32 @!p0 $0x0  }
0x12: {  	s1 =	sld [smem:$0x3F9E];
	s0 =	simm.s32 @p0 $0x1  }
0x13: {  	[smem:$0x3FB9] =	sst s0;
	s0 =	simm.s32 @!p1 $0x0  }
0x14: {  	s2 =	sld [smem:$0x3F9D];
	s0 =	simm.s32 @p1 $0x1  }
0x15: {  	[smem:$0x3FBA] =	sst s0;
	s0 =	simm.s32 @!p2 $0x0  }
0x16: {  	s3 =	sld [smem:$0x3FDB];
	s0 =	simm.s32 @p2 $0x1  }
0x17: {  	s4 =	simm.s32 $0x1BF5;
	[smem:$0x3FBC] =	sst s0  }
0x18: {  	s0 =	sld [smem:$0x3F9F];
	_ =	swait.ge [sflag:s4], $0x0  }
0x19: {  	s7 =	sld [smem:$0x3FA0]  }
0x1a: {  	s8 =	sadd.s32 $0xFFFFE003, lr  }
0x1b: {  	s9 =	sadd.s32 $0xFFFFFEF7, lr;
	s5 =	simm.s32 $0xFFFFFFFF;
	p2 =	slt.u32 s8, $0xFFFFF086  }
0x1c: {  	p1 =	slt.u32 s9, $0xF7A;
	s5 =	simm.s32 @!p2 $0x0  }
0x1d: {  	s5 =	simm.s32 @p1 $0x1;
	p0 =	seq.s32 s7, s2  }
0x1e: {  	s7 =	smul.u32 @!p0 $0xF7A, s2;
	p2 =	seq.s32 @!p0 s5, $0x0  }
0x1f: {  	s9 =	smul.u32 $0xF7A, s1;
	s8 =	simm.s32 @!p0 $0x1BF5;
	p2 =	por !p2, p0  }
0x20: {  	[sflag:s8] =	ssyncset.s32 @!p0 $0xFFFFF086;
	s6 =	sadd.s32 @!p0 s3, s7;
	s7 =	simm.s32 @!p0 $0x108  }
0x21: {  	s3 =	sadd.s32 s3, s9;
	s6 =	sadd.s32 @!p0 $0x88, s6;
	s7 =	simm.s32 @p2 $0x1082  }
0x22: {  	[simem:s7], [sflag:s8] =	dma.local @!p0 [hbm:s6], $0xF7A  }
0x23: {  	s9 =	sor.u32 $0xD0000000, s2;
	s6 =	simm.s32 $0x108;
	_ =	swait.ge @!p0 [sflag:s8], $0x0  }
0x24: {  	s3 =	sadd.s32 $0x88, s3;
	s6 =	simm.s32 @!p1 $0x1082;
	[sflag:s4] =	ssyncset.s32 $0xFFFFF086  }
0x25: {  	[simem:s6], [sflag:s4] =	dma.local [hbm:s3], $0xF7A  }
0x26: {  	[smem:$0x3FA0] =	sst s1;
	(tag) =	ssettag s2;
	_ =	strace s9  }
0x27: {  	s1 =	sld [smem:$0x3FB0]  }
0x28: {  	s2 =	sld [smem:$0x3FB1]  }
0x29: {  	s4 =	sld [smem:$0x3FB3]  }
0x2a: {  	p0 =	seq.s32 s5, $0x0;
	s5 =	sld [smem:$0x3FB4]  }
0x2b: {  	s6 =	sld [smem:$0x3FB5]  }
0x2c: {  	s7 =	sld [smem:$0x3FB6]  }
0x2d: {  	s3 =	simm.s32 $0x108;
	s8 =	sld [smem:$0x3FB7]  }
0x2e: {  	s3 =	simm.s32 @!p0 $0x1082;
	s9 =	sld [smem:$0x3FB8]  }
0x2f: {  	lr =	sadd.s32 s0, s3;
	s0 =	sld [smem:$0x3FAF]  }
0x30: {  	s3 =	sld [smem:$0x3FB2]  }
0x31: {  	[smem:$0x3FBB] =	sst s10  }
0x32: {  	s10 =	sld [smem:$0x3FB9];
	_ =	sdelay $0x3  }
0x33: {  	p0 =	seq.s32 s10, $0x1;
	s10 =	sld [smem:$0x3FBB];
	_ =	sdelay $0x3  }
0x34: {  	[smem:$0x3FBB] =	sst s10  }
0x35: {  	s10 =	sld [smem:$0x3FBA];
	_ =	sdelay $0x3  }
0x36: {  	p1 =	seq.s32 s10, $0x1;
	s10 =	sld [smem:$0x3FBB];
	_ =	sdelay $0x3  }
0x37: {  	[smem:$0x3FBB] =	sst s10  }
0x38: {  	s10 =	sld [smem:$0x3FBC]  }
0x39: {  	_ = 	snop;
	(pc) =	sbr.ind lr, $3  }
0x3a: {  	_ = 	snop  }
0x3b: {  	_ = 	snop  }
0x3c: {  	p2 =	seq.s32 s10, $0x1;
	s10 =	sld [smem:$0x3FBB]  }
0x3d: {  	_ =	shalt  }
0x3e: {  	_ =	shalt  }
0x3f: {  	_ =	shalt  }
0x40: {  	_ =	shalt  }
0x41: {  	_ =	shalt  }
0x42: {  	_ =	shalt  }
0x43: {  	_ =	shalt  }
0x44: {  	_ =	shalt  }
0x45: {  	_ =	shalt  }
0x46: {  	_ =	shalt  }
0x47: {  	_ =	shalt  }
0x48: {  	_ =	shalt  }
0x49: {  	_ =	shalt  }
0x4a: {  	_ =	shalt  }
0x4b: {  	_ =	shalt  }
0x4c: {  	_ =	shalt  }
0x4d: {  	_ =	shalt  }
0x4e: {  	_ =	shalt  }
0x4f: {  	_ =	shalt  }
0x50: {  	_ =	shalt  }
0x51: {  	_ =	shalt  }
0x52: {  	_ =	shalt  }
0x53: {  	_ =	shalt  }
0x54: {  	_ =	shalt  }
0x55: {  	_ =	shalt  }
0x56: {  	_ =	shalt  }
0x57: {  	_ =	shalt  }
0x58: {  	_ =	shalt  }
0x59: {  	_ =	shalt  }
0x5a: {  	_ =	shalt  }
0x5b: {  	_ =	shalt  }
0x5c: {  	_ =	shalt  }
0x5d: {  	_ =	shalt  }
0x5e: {  	_ =	shalt  }
0x5f: {  	_ =	shalt  }
0x60: {  	_ =	shalt  }
0x61: {  	_ =	shalt  }
0x62: {  	_ =	shalt  }
0x63: {  	_ =	shalt  }
0x64: {  	_ =	shalt  }
0x65: {  	_ =	shalt  }
0x66: {  	_ =	shalt  }
0x67: {  	_ =	shalt  }
0x68: {  	_ =	shalt  }
0x69: {  	_ =	shalt  }
0x6a: {  	_ =	shalt  }
0x6b: {  	_ =	shalt  }
0x6c: {  	_ =	shalt  }
0x6d: {  	_ =	shalt  }
0x6e: {  	_ =	shalt  }
0x6f: {  	_ =	shalt  }
0x70: {  	_ =	shalt  }
0x71: {  	_ =	shalt  }
0x72: {  	_ =	shalt  }
0x73: {  	_ =	shalt  }
0x74: {  	_ =	shalt  }
0x75: {  	_ =	shalt  }
0x76: {  	_ =	shalt  }
0x77: {  	_ =	shalt  }
0x78: {  	_ =	shalt  }
0x79: {  	_ =	shalt  }
0x7a: {  	_ =	shalt  }
0x7b: {  	_ =	shalt  }
0x7c: {  	_ =	shalt  }
0x7d: {  	_ =	shalt  }
0x7e: {  	_ =	shalt  }
0x7f: {  	_ =	shalt  }
0x80: {  	_ =	shalt  }
0x81: {  	_ =	shalt  }
0x82: {  	_ =	shalt  }
0x83: {  	_ =	shalt  }
0x84: {  	_ =	shalt  }
0x85: {  	_ =	shalt  }
0x86: {  	_ =	shalt  }
0x87: {  	_ =	shalt  }
.Lfunc_end0:
.L_simem_size_0:
called_computation_lowered:
.L_overlay_start_0:
0x88: {  	s2 =	sld [smem:$0x3FD9]  }
0x89: {  	s3 =	sld [smem:$0x3FFE];
	_ =	sdelay $0x1  }
0x8a: {  	s1 =	srdreg.scid  }
0x8b: {  	s0 =	sand.u32 $0x1, s1  }
0x8c: {  	s18 =	sshll.u32 s0, $0xA;
	s2 =	sadd.s32 s3, s2  }
0x8d: {  	s2 =	sadd.s32 s2, s18  }
0x8e: {  	[smem:$0x3FC7] =	sst s2  }
0x8f: {  	_ = 	snop  }
0x90: {  	s2 =	sld [smem:$0x3FC9]  }
0x91: {  	s19 =	sld [smem:$0x3FD0];
	(tm) =	ssettm $0x1  }
0x92: {  	s4 =	sld [smem:$0x3FFB];
	_ =	sdelay $0x3  }
0x93: {  	_ =	strace s4  }
0x94: {  	s4 =	sld [smem:$0x3FFC];
	_ =	sdelay $0x3  }
0x95: {  	_ =	strace s4  }
0x96: {  	s4 =	sld [smem:$0x3FFD];
	_ =	sdelay $0x3  }
0x97: {  	_ =	strace s4  }
0x98: {  	_ =	strace $0x8FFFFFFF  }
0x99: {  	s20 =	sld [smem:$0x3FDB];
	_ =	sdelay $0x1  }
0x9a: {  	s5 =	simm.s32 $_scs_section_size  }
0x9b: {  	s6 =	simm.s32 $_size__tile_overlayer_lowered;
	s7 =	simm.s32 $_tile_overlayer_lowered  }
0x9c: {  	s23 =	simm.s32 $0x1BFF;
	s22 =	sshll.u32 s7, $0x1;
	s4 =	sadd.s32 s5, s20  }
0x9d: {  	s8 =	simm.s32 $0x0;
	s21 =	sshll.u32 s6, $0x1;
	s6 =	sadd.s32 s22, s4  }
0x9e: {  	[timem:s8], [sflag:s23] =	dma.local [hbm:s6], s21  }
0x9f: {  	_ =	swait.ge [sflag:s23], s21  }
0xa0: {  	s5 =	ssub.s32 $0x0, s21;
	[sflag:s23] =	ssyncset.done $0x0  }
0xa1: {  	[sflag:s23] =	ssyncadd.s32 s5;
	_ =	sdelay $0x1  }
0xa2: {  	s24 =	simm.s32 $0x1B8B  }
0xa3: {  	_ =	swait.ge [sflag:s24], $0x1  }
0xa4: {  	[sflag:s24] =	ssyncset.done $0x0  }
0xa5: {  	s25 =	simm.s32 $0x1B8E;
	[sflag:s24] =	ssyncadd.s32 $0xFFFFFFFF  }
0xa6: {  	s26 =	simm.s32 $execute0_lowered;
	[smem:$0x3FD2] =	sst s25  }
0xa7: {  	s5 =	sshll.u32 s26, $0x1;
	_ =	strace $0x80000046;
	[dreg:$0x1] =	wrdreg $0xFFFFFFFF  }
0xa8: {  	s28 =	simm.s32 $_size_execute0_lowered;
	s4 =	sadd.s32 s4, s5;
	[dreg:$0x0] =	wrdreg $0x0  }
0xa9: {  	s5 =	sshll.u32 s28, $0x1;
	[dreg:$0x2] =	wrdreg s4  }
0xaa: {  	[dreg:$0x3] =	wrdreg s5  }
0xab: {  	[dreg:$0x4] =	wrdreg $0xC0  }
0xac: {  	_ =	task [dreg:s8], $0x5FFFF  }
0xad: {  	[dreg:$0x1] =	wrdreg $0xFFFFFFFF  }
0xae: {  	[dreg:$0x0] =	wrdreg $0x60  }
0xaf: {  	[dreg:$0x2] =	wrdreg s2  }
0xb0: {  	[dreg:$0x3] =	wrdreg s19  }
0xb1: {  	[dreg:$0x4] =	wrdreg $0x9  }
0xb2: {  	_ =	task.clear_ibuf [dreg:s8], $0x5FFFF;
	_ =	strace $0x90000046  }
0xb3: {  	s29 =	simm.s32 $0x9;
	_ =	strace $0x80000048  }
0xb4: {  	_ =	swait.ge [sflag:s29], $0x1  }
0xb5: {  	[sflag:s29] =	ssyncadd.s32 $0xFFFFFFFF  }
0xb6: {  	_ =	strace $0x90000048  }
0xb7: {  	_ =	sfence  }
0xb8: {  	s30 =	sld [smem:$0x0];
	_ =	sdelay $0x2  }
0xb9: {  	s31 =	sshll.u32 s1, $0xD;
	s1 =	sshrl.u32 s1, $0x2  }
0xba: {  	s3 =	sand.u32 $0x4000, s31;
	s1 =	sadd.s32 s1, s30  }
0xbb: {  	s0 =	sor.u32 s3, s0;
	s1 =	sshll.u32 s1, $0x11  }
0xbc: {  	s0 =	sor.u32 s1, s0  }
0xbd: {  	s0 =	sadd.s32 $0x8F2B, s0  }
0xbe: {  	[sflag:s0] =	ssyncadd.remote.s32 $0x1  }
0xbf: {  	_ =	sfence.sel $0xFFFF  }
0xc0: {  	[dreg:$0x0] =	wrdreg $0xFFFFFFFF;
	(pc) =	sbr.abs _section_cstart, $3  }
0xc1: {  	[dreg:$0x1] =	wrdreg $0xFFFFFFFF  }
0xc2: {  	_ =	task.clear_ibuf [dreg:s8], $0x2FFFF;
	_ =	strace $0x9FFFFFFF  }
0xc3: {  	(tm) =	ssettm $0x7FFFFFFF  }
tec
execute0_lowered:
.L_overlay_start_1:
0x0: {  	(tag) =	ssettag $0x1  }
0x1: {  	s16 =	rddreg [dreg:$0x0]  }
0x2: {  	s17 =	rddreg [dreg:$0x1];
	s2 =	srdreg.scid  }
0x3: {  	s0 =	rddreg [dreg:$0x2];
	s1 =	stileid.u32;
	s18 =	sand.u32 $0x1, s2  }
0x4: {  	s2 =	simm.s32 $0x0;
	s3 =	sshll.u32 s1, $0x10;
	s4 =	sshll.u32 s18, $0xF  }
0x5: {  	[smem:$0x7FF] =	sst s2;
	s19 =	sor.u32 s4, s3  }
0x6: {  	_ =	strace $0x80000047;
	s3 =	sadd.s32 s16, s19;
	s9 =	sor.u32 $0x1C00, s19  }
0x7: {  	[tilespmem:s2], [sflag:$0x1] =	stream.linear.gather [hbm4b:s3+s2], $0xE000, $0x38;
	[tilespmem:$0x1E000] =	vst v63  }
0x8: {  	s5 =	simm.s32 $0xE000;
	s6 =	simm.s32 $0x1;
	s4 =	sadd.s32 s16, s9  }
0x9: {  	[tilespmem:s5], [sflag:$0x2] =	stream.linear.gather [hbm4b:s4+s2], $0x10000, $0x38;
	[tilespmem:$0x1E000] =	vst v63  }
0xa: {  	_ =	swait.ge [sflag:s6], $0xE000  }
0xb: {  	[sflag:s6] =	ssyncset.done $0x0  }
0xc: {  	s8 =	simm.s32 $0x2;
	s7 =	sadd.s32 s17, s19;
	[sflag:s6] =	ssyncadd.s32 $0xFFFF2000  }
0xd: {  	[hbm4b:s7+s2] =	stream.linear.scatter [tilespmem:s2], [sflag:$0x3], $0xE000, $0x38;
	[tilespmem:$0x1E000] =	vst v63  }
0xe: {  	_ =	swait.ge [sflag:s8], $0x10000  }
0xf: {  	[sflag:s8] =	ssyncset.done $0x0  }
0x10: {  	s10 =	sadd.s32 s17, s9;
	s9 =	simm.s32 $0x3;
	[sflag:s8] =	ssyncadd.s32 $0xFFFF0000  }
0x11: {  	[hbm4b:s10+s2] =	stream.linear.scatter [tilespmem:s5], [sflag:$0x4], $0x10000, $0x38;
	[tilespmem:$0x1E000] =	vst v63  }
0x12: {  	_ =	swait.ge [sflag:s9], $0xE000  }
0x13: {  	s12 =	sor.u32 $0x3C00, s19;
	[sflag:s9] =	ssyncset.done $0x0  }
0x14: {  	s11 =	sadd.s32 s16, s12;
	[sflag:s9] =	ssyncadd.s32 $0xFFFF2000  }
0x15: {  	[tilespmem:s2], [sflag:$0x1] =	stream.linear.gather [hbm4b:s11+s2], $0xE000, $0x38;
	[tilespmem:$0x1E000] =	vst v63  }
0x16: {  	_ =	swait.ge [sflag:s6], $0xE000  }
0x17: {  	[sflag:s6] =	ssyncset.done $0x0  }
0x18: {  	s13 =	simm.s32 $0x4;
	s12 =	sadd.s32 s17, s12;
	[sflag:s6] =	ssyncadd.s32 $0xFFFF2000  }
0x19: {  	[hbm4b:s12+s2] =	stream.linear.scatter [tilespmem:s2], [sflag:$0x3], $0xE000, $0x38;
	[tilespmem:$0x1E000] =	vst v63  }
0x1a: {  	_ =	swait.ge [sflag:s13], $0x10000  }
0x1b: {  	s15 =	sor.u32 $0x5800, s19;
	[sflag:s13] =	ssyncset.done $0x0  }
0x1c: {  	s14 =	sadd.s32 s16, s15;
	[sflag:s13] =	ssyncadd.s32 $0xFFFF0000  }
0x1d: {  	[tilespmem:s5], [sflag:$0x2] =	stream.linear.gather [hbm4b:s14+s2], $0x10000, $0x38;
	[tilespmem:$0x1E000] =	vst v63  }
0x1e: {  	_ =	swait.ge [sflag:s8], $0x10000  }
0x1f: {  	[sflag:s8] =	ssyncset.done $0x0  }
0x20: {  	s15 =	sadd.s32 s17, s15;
	[sflag:s8] =	ssyncadd.s32 $0xFFFF0000  }
0x21: {  	[hbm4b:s15+s2] =	stream.linear.scatter [tilespmem:s5], [sflag:$0x4], $0x10000, $0x38;
	[tilespmem:$0x1E000] =	vst v63  }
0x22: {  	_ =	swait.ge [sflag:s9], $0xE000  }
0x23: {  	s18 =	ssub.s32 $0x2, s18;
	s19 =	sor.u32 $0x7800, s19;
	[sflag:s9] =	ssyncset.done $0x0  }
0x24: {  	s31 =	sshrl.u32 s18, $0x1;
	s16 =	sadd.s32 s16, s19;
	[sflag:s9] =	ssyncadd.s32 $0xFFFF2000  }
0x25: {  	[tilespmem:s2], [sflag:$0x1] =	stream.linear.gather [hbm4b:s16+s2], $0x4000, $0x38;
	[tilespmem:$0x1E000] =	vst v63  }
0x26: {  	s18 =	ssub.s32 s18, s31;
	_ =	swait.ge [sflag:s6], $0x4000  }
0x27: {  	s18 =	smax.u32 s18, $0x1;
	[sflag:s6] =	ssyncset.done $0x0  }
0x28: {  	s17 =	sadd.s32 s17, s19;
	p0 =	sne.s32 s18, $0x1;
	[sflag:s6] =	ssyncadd.s32 $0xFFFFC000  }
0x29: {  	[hbm4b:s17+s2] =	stream.linear.scatter [tilespmem:s2], [sflag:$0x3], $0x4000, $0x38;
	[tilespmem:$0x1E000] =	vst v63  }
.Ltmp0:
0x2a: {  	_ =	swait.ge [sflag:s13], $0x10000;
	(pc) =	sbr.rel @!p0 .LBB2_2-.Ltmp0, $4  }
0x2b: {  	[sflag:s13] =	ssyncset.done $0x0  }
0x2c: {  	[sflag:s13] =	ssyncadd.s32 $0xFFFF0000  }
0x2d: {  	_ =	swait.ge [sflag:s9], $0x4000  }
0x2e: {  	s18 =	sadd.s32 $0xFFFFFFFF, s18;
	[sflag:s9] =	ssyncset.done $0x0  }
.LBB2_1:
0x2f: {  	p0 =	sne.s32 s18, $0x1;
	s18 =	sadd.s32 $0xFFFFFFFF, s18;
	[sflag:s9] =	ssyncadd.s32 $0xFFFFC000  }
0x30: {  	[tilespmem:s2], [sflag:$0x1] =	stream.linear.gather [hbm4b:s3+s2], $0xE000, $0x38;
	[tilespmem:$0x1E000] =	vst v63  }
0x31: {  	_ = 	snop  }
0x32: {  	[tilespmem:s5], [sflag:$0x2] =	stream.linear.gather [hbm4b:s4+s2], $0x10000, $0x38;
	[tilespmem:$0x1E000] =	vst v63  }
0x33: {  	_ =	swait.ge [sflag:s6], $0xE000  }
0x34: {  	[sflag:s6] =	ssyncset.done $0x0  }
0x35: {  	[sflag:s6] =	ssyncadd.s32 $0xFFFF2000  }
0x36: {  	[hbm4b:s7+s2] =	stream.linear.scatter [tilespmem:s2], [sflag:$0x3], $0xE000, $0x38;
	[tilespmem:$0x1E000] =	vst v63  }
0x37: {  	_ =	swait.ge [sflag:s8], $0x10000  }
0x38: {  	[sflag:s8] =	ssyncset.done $0x0  }
0x39: {  	[sflag:s8] =	ssyncadd.s32 $0xFFFF0000  }
0x3a: {  	[hbm4b:s10+s2] =	stream.linear.scatter [tilespmem:s5], [sflag:$0x4], $0x10000, $0x38;
	[tilespmem:$0x1E000] =	vst v63  }
0x3b: {  	_ =	swait.ge [sflag:s9], $0xE000  }
0x3c: {  	[sflag:s9] =	ssyncset.done $0x0  }
0x3d: {  	[sflag:s9] =	ssyncadd.s32 $0xFFFF2000  }
0x3e: {  	[tilespmem:s2], [sflag:$0x1] =	stream.linear.gather [hbm4b:s11+s2], $0xE000, $0x38;
	[tilespmem:$0x1E000] =	vst v63  }
0x3f: {  	_ =	swait.ge [sflag:s6], $0xE000  }
0x40: {  	[sflag:s6] =	ssyncset.done $0x0  }
0x41: {  	[sflag:s6] =	ssyncadd.s32 $0xFFFF2000  }
0x42: {  	[hbm4b:s12+s2] =	stream.linear.scatter [tilespmem:s2], [sflag:$0x3], $0xE000, $0x38;
	[tilespmem:$0x1E000] =	vst v63  }
0x43: {  	_ =	swait.ge [sflag:s13], $0x10000  }
0x44: {  	[sflag:s13] =	ssyncset.done $0x0  }
0x45: {  	[sflag:s13] =	ssyncadd.s32 $0xFFFF0000  }
0x46: {  	[tilespmem:s5], [sflag:$0x2] =	stream.linear.gather [hbm4b:s14+s2], $0x10000, $0x38;
	[tilespmem:$0x1E000] =	vst v63  }
0x47: {  	_ =	swait.ge [sflag:s8], $0x10000  }
0x48: {  	[sflag:s8] =	ssyncset.done $0x0  }
0x49: {  	[sflag:s8] =	ssyncadd.s32 $0xFFFF0000  }
0x4a: {  	[hbm4b:s15+s2] =	stream.linear.scatter [tilespmem:s5], [sflag:$0x4], $0x10000, $0x38;
	[tilespmem:$0x1E000] =	vst v63  }
0x4b: {  	_ =	swait.ge [sflag:s9], $0xE000  }
0x4c: {  	[sflag:s9] =	ssyncset.done $0x0  }
0x4d: {  	[sflag:s9] =	ssyncadd.s32 $0xFFFF2000  }
0x4e: {  	[tilespmem:s2], [sflag:$0x1] =	stream.linear.gather [hbm4b:s16+s2], $0x4000, $0x38;
	[tilespmem:$0x1E000] =	vst v63  }
0x4f: {  	_ =	swait.ge [sflag:s6], $0x4000  }
0x50: {  	[sflag:s6] =	ssyncset.done $0x0  }
0x51: {  	[sflag:s6] =	ssyncadd.s32 $0xFFFFC000  }
0x52: {  	[hbm4b:s17+s2] =	stream.linear.scatter [tilespmem:s2], [sflag:$0x3], $0x4000, $0x38;
	[tilespmem:$0x1E000] =	vst v63  }
.Ltmp1:
0x53: {  	_ =	swait.ge [sflag:s13], $0x10000;
	(pc) =	sbr.rel @p0 .LBB2_1-.Ltmp1, $4  }
0x54: {  	[sflag:s13] =	ssyncset.done $0x0  }
0x55: {  	[sflag:s13] =	ssyncadd.s32 $0xFFFF0000  }
0x56: {  	_ =	swait.ge [sflag:s9], $0x4000  }
0x57: {  	[sflag:s9] =	ssyncset.done $0x0  }
.LBB2_2:
0x58: {  	[sflag:s9] =	ssyncadd.s32 $0xFFFFC000  }
0x59: {  	_ =	sfence.sel $0x180000  }
0x5a: {  	[bflag:$0x0] =	sbarrier.arrive $0xFFFF  }
0x5b: {  	p0 =	sne.s32 s1, $0x0;
	_ =	strace $0x90000047  }
0x5c: {  	s0 =	sadd.s32 @!p0 $0x100000, s0;
	[bflag:$0x2] =	sbarrier.arrive $0xFFFF  }
0x5d: {  	[sflag:s0] =	ssyncadd.tile.s32 @!p0 $0x1;
	_ =	shalt  }
.Lfunc_end2:
_tile_overlayer_lowered:
.L_overlay_start_2:
0x5e: {  	(tag) =	ssettag $0x2  }
0x5f: {  	s0 =	rddreg [dreg:$0x0];
	s2 =	stileid.u32  }
0x60: {  	s1 =	rddreg [dreg:$0x1];
	p0 =	sne.s32 s2, $0x0  }
0x61: {  	s3 =	rddreg [dreg:$0x2];
	[bflag:$0x3] =	sbarrier.arrive $0xFFFF;
	s2 =	simm.s32 @!p0 $0x1C05  }
0x62: {  	[timem:s3], [sflag:s2] =	dma.local @!p0 [hbm:s0], s1  }
0x63: {  	s0 =	simm.s32 @!p0 $0x5  }
0x64: {  	_ =	swait.ge @!p0 [sflag:s0], s1  }
0x65: {  	s1 =	ssub.s32 @!p0 $0x0, s1;
	[sflag:s0] =	ssyncset.done @!p0 $0x0  }
0x66: {  	[sflag:s0] =	ssyncadd.s32 @!p0 s1  }
0x67: {  	[bflag:$0x3] =	sbarrier.arrive $0xFFFF  }
0x68: {  	_ =	shalt  }

</sc_bundles>
